<compile_context>
chip_gen: v7x
topology: tpu7x:2x2x1
jax: 0.10.2.dev20260603
libtpu: 0.0.44.dev20260713+nightly
codegen_flags: <defaults>
</compile_context>

<pallas_src>
import functools

import jax
import jax.numpy as jnp
from jax import lax
from jax.experimental import pallas as pl
from jax.experimental.pallas import tpu as pltpu
from jax.experimental.pallas import tpu_sc as plsc

_NUM_CORES = 2
_NUM_SUBCORES = 16
_NW = _NUM_CORES * _NUM_SUBCORES
_LANES = 16


def _sc_gather_rel(t_pad, h, w):
    c = t_pad.shape[1]
    hw = h * w
    rows_per_tile = hw // _NW
    mesh = plsc.VectorSubcoreMesh(core_axis_name="c", subcore_axis_name="s")

    @functools.partial(
        pl.kernel,
        out_type=jax.ShapeDtypeStruct((hw, c), jnp.float32),
        mesh=mesh,
        scratch_types=[
            pltpu.VMEM((rows_per_tile,), jnp.int32),
            pltpu.VMEM((rows_per_tile, c), jnp.float32),
            pltpu.SemaphoreType.DMA,
        ],
    )
    def rel_kernel(t_hbm, rel_hbm, idx_v, rows_v, sem):
        wid = lax.axis_index("s") * _NUM_CORES + lax.axis_index("c")
        base = wid * rows_per_tile
        lane = lax.iota(jnp.int32, _LANES)
        for k in range(rows_per_tile // _LANES):
            pos = base + k * _LANES + lane
            hh = jnp.right_shift(pos, w.bit_length() - 1)
            ww = jnp.bitwise_and(pos, w - 1)
            idx_v[pl.ds(k * _LANES, _LANES)] = ww - hh + (w - 1)
        pltpu.async_copy(t_hbm.at[idx_v], rows_v, sem).wait()
        pltpu.sync_copy(rows_v, rel_hbm.at[pl.ds(base, rows_per_tile)])

    return rel_kernel(t_pad)


def _tc_add_body(x_ref, rel_ref, o_ref):
    o_ref[...] = x_ref[...] + rel_ref[...]


def _tc_add(xt, rel):
    b, h, w, c = xt.shape
    tile_b = 2
    return pl.pallas_call(
        _tc_add_body,
        grid=(b // tile_b,),
        in_specs=[
            pl.BlockSpec((tile_b, h, w, c), lambda bi: (bi, 0, 0, 0)),
            pl.BlockSpec((h, w, c), lambda bi: (0, 0, 0)),
        ],
        out_specs=pl.BlockSpec((tile_b, h, w, c), lambda bi: (bi, 0, 0, 0)),
        out_shape=jax.ShapeDtypeStruct((b, h, w, c), jnp.float32),
    )(xt, rel)


def kernel(x, rel_emb_x, rel_emb_y):
    b, c, h, w = x.shape
    t = jnp.concatenate([rel_emb_x, rel_emb_y], axis=1)
    t_pad = jnp.pad(t, ((0, 1), (0, 0)))
    rel = _sc_gather_rel(t_pad, h, w).reshape(h, w, c)
    xt = jnp.transpose(x, (0, 2, 3, 1))
    out = _tc_add(xt, rel)
    return jnp.transpose(out, (0, 3, 1, 2))

# --- scband reference (transcript-rebuilt; emitter-appended) ---
"""Pipeline reference for scband-relative-positional-encoding-44959717654966 (READ-ONLY COPY).

The authoritative reference and input builder live on the scoring server;
editing this copy changes nothing except your own understanding.
"""

import jax, jax.numpy as jnp
import numpy as np

B, C, H, W = 32, 256, 64, 64
C_X = C // 2
C_Y = C - C_X


def setup_inputs(seed: int = 0) -> dict:
    key = jax.random.key(seed)
    k1, k2, k3 = jax.random.split(key, 3)
    x = jax.random.normal(k1, (B, C, H, W), dtype=jnp.float32)
    rel_emb_x = jax.random.normal(k2, (W * 2 - 1, C_X), dtype=jnp.float32)
    rel_emb_y = jax.random.normal(k3, (H * 2 - 1, C_Y), dtype=jnp.float32)
    return {"x": x, "rel_emb_x": rel_emb_x, "rel_emb_y": rel_emb_y}


def reference(x, rel_emb_x, rel_emb_y):
    Bb, Cc, Hh, Ww = x.shape
    coord_x = (jnp.arange(Ww)[None, :] - jnp.arange(Ww)[:, None]) + (Ww - 1)
    coord_y = (jnp.arange(Hh)[None, :] - jnp.arange(Hh)[:, None]) + (Hh - 1)
    rel_x = jnp.take(rel_emb_x, coord_x.reshape(-1), axis=0).reshape(Hh, Ww, -1)
    rel_y = jnp.take(rel_emb_y, coord_y.reshape(-1), axis=0).reshape(Hh, Ww, -1)
    rel_pos = jnp.concatenate([rel_x, rel_y], axis=-1)
    rel_pos = jnp.transpose(rel_pos, (2, 0, 1))[None, :, :, :]
    return x + rel_pos

if __name__ == "__main__":
    import jax
    _d = setup_inputs()
    print(jax.jit(kernel)(*tuple(_d.values())))

</pallas_src>

<mosaic_0001>
#map = affine_map<(d0, d1) -> (0, 0)>
module attributes {stable_mosaic.version = 14 : i64} {
  func.func @rel_kernel(%arg0: i32, %arg1: i32, %arg2: memref<128x256xf32, #tpu.memory_space<hbm>>, %arg3: memref<4096x256xf32, #tpu.memory_space<hbm>>, %arg4: memref<128xi32, #tpu.memory_space<vmem>>, %arg5: memref<128x256xf32, #tpu.memory_space<vmem>>, %arg6: memref<!tpu.dma_semaphore, #tpu.memory_space<semaphore_mem>>) attributes {dimension_semantics = [#tpu.dimension_semantics<core_parallel>, #tpu.dimension_semantics<subcore_parallel>], iteration_bounds = array<i64: 2, 16>, scalar_prefetch = 0 : i64, scratch_operands = 3 : i64, tpu.core_type = #tpu.core_type<sc_vector_subcore>, window_params = [{transform_indices = #map}, {transform_indices = #map}]} {
    %mul3A = arith.constant 2 : i32
    %mul3A_0 = arith.muli %arg1, %mul3A : i32
    %add3A = arith.addi %mul3A_0, %arg0 : i32
    %mul3A_1 = arith.constant 128 : i32
    %mul3A_2 = arith.muli %add3A, %mul3A_1 : i32
    %iota3A = tpu.iota {dimensions = array<i32: 0>} : vector<16xi32>
    %add3A_3 = arith.constant 0 : i32
    %add3A_4 = arith.addi %mul3A_2, %add3A_3 : i32
    %add3A_5 = vector.broadcast %add3A_4 : i32 to vector<16xi32>
    %add3A_6 = arith.addi %add3A_5, %iota3A : vector<16xi32>
    %shift_right_arithmetic3A = arith.constant 6 : i32
    %shift_right_arithmetic3A_7 = vector.broadcast %shift_right_arithmetic3A : i32 to vector<16xi32>
    %shift_right_arithmetic3A_8 = arith.shrsi %add3A_6, %shift_right_arithmetic3A_7 : vector<16xi32>
    %and3A = arith.constant 63 : i32
    %and3A_9 = vector.broadcast %and3A : i32 to vector<16xi32>
    %and3A_10 = arith.andi %add3A_6, %and3A_9 : vector<16xi32>
    %sub3A = arith.subi %and3A_10, %shift_right_arithmetic3A_8 : vector<16xi32>
    %add3A_11 = arith.constant 63 : i32
    %add3A_12 = vector.broadcast %add3A_11 : i32 to vector<16xi32>
    %add3A_13 = arith.addi %sub3A, %add3A_12 : vector<16xi32>
    %swap3A = arith.constant 0 : index
    %swap3A_14 = tpu.vector_load %arg4[%swap3A] {strides = array<i32>} : memref<128xi32, #tpu.memory_space<vmem>>, vector<16xi32>,
    %swap3A_15 = vector.shape_cast %swap3A_14 : vector<16xi32> to vector<16xi32>
    %swap3A_16 = vector.shape_cast %add3A_13 : vector<16xi32> to vector<16xi32>
    tpu.vector_store %arg4[%swap3A], %swap3A_16 {strides = array<i32>} : memref<128xi32, #tpu.memory_space<vmem>>, vector<16xi32>,
    %add3A_17 = arith.constant 16 : i32
    %add3A_18 = arith.addi %mul3A_2, %add3A_17 : i32
    %add3A_19 = vector.broadcast %add3A_18 : i32 to vector<16xi32>
    %add3A_20 = arith.addi %add3A_19, %iota3A : vector<16xi32>
    %shift_right_arithmetic3A_21 = arith.constant 6 : i32
    %shift_right_arithmetic3A_22 = vector.broadcast %shift_right_arithmetic3A_21 : i32 to vector<16xi32>
    %shift_right_arithmetic3A_23 = arith.shrsi %add3A_20, %shift_right_arithmetic3A_22 : vector<16xi32>
    %and3A_24 = arith.constant 63 : i32
    %and3A_25 = vector.broadcast %and3A_24 : i32 to vector<16xi32>
    %and3A_26 = arith.andi %add3A_20, %and3A_25 : vector<16xi32>
    %sub3A_27 = arith.subi %and3A_26, %shift_right_arithmetic3A_23 : vector<16xi32>
    %add3A_28 = arith.constant 63 : i32
    %add3A_29 = vector.broadcast %add3A_28 : i32 to vector<16xi32>
    %add3A_30 = arith.addi %sub3A_27, %add3A_29 : vector<16xi32>
    %swap3A_31 = arith.constant 16 : index
    %swap3A_32 = tpu.vector_load %arg4[%swap3A_31] {strides = array<i32>} : memref<128xi32, #tpu.memory_space<vmem>>, vector<16xi32>,
    %swap3A_33 = vector.shape_cast %swap3A_32 : vector<16xi32> to vector<16xi32>
    %swap3A_34 = vector.shape_cast %add3A_30 : vector<16xi32> to vector<16xi32>
    tpu.vector_store %arg4[%swap3A_31], %swap3A_34 {strides = array<i32>} : memref<128xi32, #tpu.memory_space<vmem>>, vector<16xi32>,
    %add3A_35 = arith.constant 32 : i32
    %add3A_36 = arith.addi %mul3A_2, %add3A_35 : i32
    %add3A_37 = vector.broadcast %add3A_36 : i32 to vector<16xi32>
    %add3A_38 = arith.addi %add3A_37, %iota3A : vector<16xi32>
    %shift_right_arithmetic3A_39 = arith.constant 6 : i32
    %shift_right_arithmetic3A_40 = vector.broadcast %shift_right_arithmetic3A_39 : i32 to vector<16xi32>
    %shift_right_arithmetic3A_41 = arith.shrsi %add3A_38, %shift_right_arithmetic3A_40 : vector<16xi32>
    %and3A_42 = arith.constant 63 : i32
    %and3A_43 = vector.broadcast %and3A_42 : i32 to vector<16xi32>
    %and3A_44 = arith.andi %add3A_38, %and3A_43 : vector<16xi32>
    %sub3A_45 = arith.subi %and3A_44, %shift_right_arithmetic3A_41 : vector<16xi32>
    %add3A_46 = arith.constant 63 : i32
    %add3A_47 = vector.broadcast %add3A_46 : i32 to vector<16xi32>
    %add3A_48 = arith.addi %sub3A_45, %add3A_47 : vector<16xi32>
    %swap3A_49 = arith.constant 32 : index
    %swap3A_50 = tpu.vector_load %arg4[%swap3A_49] {strides = array<i32>} : memref<128xi32, #tpu.memory_space<vmem>>, vector<16xi32>,
    %swap3A_51 = vector.shape_cast %swap3A_50 : vector<16xi32> to vector<16xi32>
    %swap3A_52 = vector.shape_cast %add3A_48 : vector<16xi32> to vector<16xi32>
    tpu.vector_store %arg4[%swap3A_49], %swap3A_52 {strides = array<i32>} : memref<128xi32, #tpu.memory_space<vmem>>, vector<16xi32>,
    %add3A_53 = arith.constant 48 : i32
    %add3A_54 = arith.addi %mul3A_2, %add3A_53 : i32
    %add3A_55 = vector.broadcast %add3A_54 : i32 to vector<16xi32>
    %add3A_56 = arith.addi %add3A_55, %iota3A : vector<16xi32>
    %shift_right_arithmetic3A_57 = arith.constant 6 : i32
    %shift_right_arithmetic3A_58 = vector.broadcast %shift_right_arithmetic3A_57 : i32 to vector<16xi32>
    %shift_right_arithmetic3A_59 = arith.shrsi %add3A_56, %shift_right_arithmetic3A_58 : vector<16xi32>
    %and3A_60 = arith.constant 63 : i32
    %and3A_61 = vector.broadcast %and3A_60 : i32 to vector<16xi32>
    %and3A_62 = arith.andi %add3A_56, %and3A_61 : vector<16xi32>
    %sub3A_63 = arith.subi %and3A_62, %shift_right_arithmetic3A_59 : vector<16xi32>
    %add3A_64 = arith.constant 63 : i32
    %add3A_65 = vector.broadcast %add3A_64 : i32 to vector<16xi32>
    %add3A_66 = arith.addi %sub3A_63, %add3A_65 : vector<16xi32>
    %swap3A_67 = arith.constant 48 : index
    %swap3A_68 = tpu.vector_load %arg4[%swap3A_67] {strides = array<i32>} : memref<128xi32, #tpu.memory_space<vmem>>, vector<16xi32>,
    %swap3A_69 = vector.shape_cast %swap3A_68 : vector<16xi32> to vector<16xi32>
    %swap3A_70 = vector.shape_cast %add3A_66 : vector<16xi32> to vector<16xi32>
    tpu.vector_store %arg4[%swap3A_67], %swap3A_70 {strides = array<i32>} : memref<128xi32, #tpu.memory_space<vmem>>, vector<16xi32>,
    %add3A_71 = arith.constant 64 : i32
    %add3A_72 = arith.addi %mul3A_2, %add3A_71 : i32
    %add3A_73 = vector.broadcast %add3A_72 : i32 to vector<16xi32>
    %add3A_74 = arith.addi %add3A_73, %iota3A : vector<16xi32>
    %shift_right_arithmetic3A_75 = arith.constant 6 : i32
    %shift_right_arithmetic3A_76 = vector.broadcast %shift_right_arithmetic3A_75 : i32 to vector<16xi32>
    %shift_right_arithmetic3A_77 = arith.shrsi %add3A_74, %shift_right_arithmetic3A_76 : vector<16xi32>
    %and3A_78 = arith.constant 63 : i32
    %and3A_79 = vector.broadcast %and3A_78 : i32 to vector<16xi32>
    %and3A_80 = arith.andi %add3A_74, %and3A_79 : vector<16xi32>
    %sub3A_81 = arith.subi %and3A_80, %shift_right_arithmetic3A_77 : vector<16xi32>
    %add3A_82 = arith.constant 63 : i32
    %add3A_83 = vector.broadcast %add3A_82 : i32 to vector<16xi32>
    %add3A_84 = arith.addi %sub3A_81, %add3A_83 : vector<16xi32>
    %swap3A_85 = arith.constant 64 : index
    %swap3A_86 = tpu.vector_load %arg4[%swap3A_85] {strides = array<i32>} : memref<128xi32, #tpu.memory_space<vmem>>, vector<16xi32>,
    %swap3A_87 = vector.shape_cast %swap3A_86 : vector<16xi32> to vector<16xi32>
    %swap3A_88 = vector.shape_cast %add3A_84 : vector<16xi32> to vector<16xi32>
    tpu.vector_store %arg4[%swap3A_85], %swap3A_88 {strides = array<i32>} : memref<128xi32, #tpu.memory_space<vmem>>, vector<16xi32>,
    %add3A_89 = arith.constant 80 : i32
    %add3A_90 = arith.addi %mul3A_2, %add3A_89 : i32
    %add3A_91 = vector.broadcast %add3A_90 : i32 to vector<16xi32>
    %add3A_92 = arith.addi %add3A_91, %iota3A : vector<16xi32>
    %shift_right_arithmetic3A_93 = arith.constant 6 : i32
    %shift_right_arithmetic3A_94 = vector.broadcast %shift_right_arithmetic3A_93 : i32 to vector<16xi32>
    %shift_right_arithmetic3A_95 = arith.shrsi %add3A_92, %shift_right_arithmetic3A_94 : vector<16xi32>
    %and3A_96 = arith.constant 63 : i32
    %and3A_97 = vector.broadcast %and3A_96 : i32 to vector<16xi32>
    %and3A_98 = arith.andi %add3A_92, %and3A_97 : vector<16xi32>
    %sub3A_99 = arith.subi %and3A_98, %shift_right_arithmetic3A_95 : vector<16xi32>
    %add3A_100 = arith.constant 63 : i32
    %add3A_101 = vector.broadcast %add3A_100 : i32 to vector<16xi32>
    %add3A_102 = arith.addi %sub3A_99, %add3A_101 : vector<16xi32>
    %swap3A_103 = arith.constant 80 : index
    %swap3A_104 = tpu.vector_load %arg4[%swap3A_103] {strides = array<i32>} : memref<128xi32, #tpu.memory_space<vmem>>, vector<16xi32>,
    %swap3A_105 = vector.shape_cast %swap3A_104 : vector<16xi32> to vector<16xi32>
    %swap3A_106 = vector.shape_cast %add3A_102 : vector<16xi32> to vector<16xi32>
    tpu.vector_store %arg4[%swap3A_103], %swap3A_106 {strides = array<i32>} : memref<128xi32, #tpu.memory_space<vmem>>, vector<16xi32>,
    %add3A_107 = arith.constant 96 : i32
    %add3A_108 = arith.addi %mul3A_2, %add3A_107 : i32
    %add3A_109 = vector.broadcast %add3A_108 : i32 to vector<16xi32>
    %add3A_110 = arith.addi %add3A_109, %iota3A : vector<16xi32>
    %shift_right_arithmetic3A_111 = arith.constant 6 : i32
    %shift_right_arithmetic3A_112 = vector.broadcast %shift_right_arithmetic3A_111 : i32 to vector<16xi32>
    %shift_right_arithmetic3A_113 = arith.shrsi %add3A_110, %shift_right_arithmetic3A_112 : vector<16xi32>
    %and3A_114 = arith.constant 63 : i32
    %and3A_115 = vector.broadcast %and3A_114 : i32 to vector<16xi32>
    %and3A_116 = arith.andi %add3A_110, %and3A_115 : vector<16xi32>
    %sub3A_117 = arith.subi %and3A_116, %shift_right_arithmetic3A_113 : vector<16xi32>
    %add3A_118 = arith.constant 63 : i32
    %add3A_119 = vector.broadcast %add3A_118 : i32 to vector<16xi32>
    %add3A_120 = arith.addi %sub3A_117, %add3A_119 : vector<16xi32>
    %swap3A_121 = arith.constant 96 : index
    %swap3A_122 = tpu.vector_load %arg4[%swap3A_121] {strides = array<i32>} : memref<128xi32, #tpu.memory_space<vmem>>, vector<16xi32>,
    %swap3A_123 = vector.shape_cast %swap3A_122 : vector<16xi32> to vector<16xi32>
    %swap3A_124 = vector.shape_cast %add3A_120 : vector<16xi32> to vector<16xi32>
    tpu.vector_store %arg4[%swap3A_121], %swap3A_124 {strides = array<i32>} : memref<128xi32, #tpu.memory_space<vmem>>, vector<16xi32>,
    %add3A_125 = arith.constant 112 : i32
    %add3A_126 = arith.addi %mul3A_2, %add3A_125 : i32
    %add3A_127 = vector.broadcast %add3A_126 : i32 to vector<16xi32>
    %add3A_128 = arith.addi %add3A_127, %iota3A : vector<16xi32>
    %shift_right_arithmetic3A_129 = arith.constant 6 : i32
    %shift_right_arithmetic3A_130 = vector.broadcast %shift_right_arithmetic3A_129 : i32 to vector<16xi32>
    %shift_right_arithmetic3A_131 = arith.shrsi %add3A_128, %shift_right_arithmetic3A_130 : vector<16xi32>
    %and3A_132 = arith.constant 63 : i32
    %and3A_133 = vector.broadcast %and3A_132 : i32 to vector<16xi32>
    %and3A_134 = arith.andi %add3A_128, %and3A_133 : vector<16xi32>
    %sub3A_135 = arith.subi %and3A_134, %shift_right_arithmetic3A_131 : vector<16xi32>
    %add3A_136 = arith.constant 63 : i32
    %add3A_137 = vector.broadcast %add3A_136 : i32 to vector<16xi32>
    %add3A_138 = arith.addi %sub3A_135, %add3A_137 : vector<16xi32>
    %swap3A_139 = arith.constant 112 : index
    %swap3A_140 = tpu.vector_load %arg4[%swap3A_139] {strides = array<i32>} : memref<128xi32, #tpu.memory_space<vmem>>, vector<16xi32>,
    %swap3A_141 = vector.shape_cast %swap3A_140 : vector<16xi32> to vector<16xi32>
    %swap3A_142 = vector.shape_cast %add3A_138 : vector<16xi32> to vector<16xi32>
    tpu.vector_store %arg4[%swap3A_139], %swap3A_142 {strides = array<i32>} : memref<128xi32, #tpu.memory_space<vmem>>, vector<16xi32>,
    %dma_start3A = arith.constant 0 : i32
    %dma_start3A_143 = arith.constant 0 : i32
    %dma_start3A_144 = tpu.memref_slice %arg2[%dma_start3A, %dma_start3A_143] : memref<128x256xf32, #tpu.memory_space<hbm>> -> memref<128x256xf32, #tpu.memory_space<hbm>>
    tpu.enqueue_indirect_dma source(%dma_start3A_144 : memref<128x256xf32, #tpu.memory_space<hbm>>) target(%arg5 : memref<128x256xf32, #tpu.memory_space<vmem>>) offsets(%arg4 : memref<128xi32, #tpu.memory_space<vmem>>) semaphore(%arg6 : memref<!tpu.dma_semaphore, #tpu.memory_space<semaphore_mem>>)
    %dma_wait3A = arith.constant 0 : i32
    %dma_wait3A_145 = arith.constant 0 : i32
    %dma_wait3A_146 = tpu.memref_slice %arg2[%dma_wait3A, %dma_wait3A_145] : memref<128x256xf32, #tpu.memory_space<hbm>> -> memref<128x256xf32, #tpu.memory_space<hbm>>
    tpu.wait_indirect_dma semaphore(%arg6 : memref<!tpu.dma_semaphore, #tpu.memory_space<semaphore_mem>>) src(%dma_wait3A_146 : memref<128x256xf32, #tpu.memory_space<hbm>>) dst(%arg5 : memref<128x256xf32, #tpu.memory_space<vmem>>)
    "tpu.region"() ({
      %run_scoped3A = tpu.sem_alloc : memref<!tpu.dma_semaphore, #tpu.memory_space<semaphore_mem>>
      %dma_start3A_147 = arith.constant 0 : i32
      %dma_start3A_148 = tpu.memref_slice %arg3[%mul3A_2, %dma_start3A_147] : memref<4096x256xf32, #tpu.memory_space<hbm>> -> memref<128x256xf32, #tpu.memory_space<hbm>>
      %dma_start3A_149 = arith.constant 0 : i32
      %dma_start3A_150 = tpu.memref_slice %arg3[%mul3A_2, %dma_start3A_149] : memref<4096x256xf32, #tpu.memory_space<hbm>> -> memref<128x256xf32, #tpu.memory_space<hbm>>
      tpu.enqueue_dma source(%arg5 : memref<128x256xf32, #tpu.memory_space<vmem>>) target(%dma_start3A_150 : memref<128x256xf32, #tpu.memory_space<hbm>>) target_semaphore(%run_scoped3A : memref<!tpu.dma_semaphore, #tpu.memory_space<semaphore_mem>>)
      %dma_wait3A_151 = arith.constant 0 : i32
      %dma_wait3A_152 = tpu.memref_slice %arg3[%mul3A_2, %dma_wait3A_151] : memref<4096x256xf32, #tpu.memory_space<hbm>> -> memref<128x256xf32, #tpu.memory_space<hbm>>
      %dma_wait3A_153 = arith.constant 0 : i32
      %dma_wait3A_154 = tpu.memref_slice %arg3[%mul3A_2, %dma_wait3A_153] : memref<4096x256xf32, #tpu.memory_space<hbm>> -> memref<128x256xf32, #tpu.memory_space<hbm>>
      tpu.wait_dma2 semaphore(%run_scoped3A : memref<!tpu.dma_semaphore, #tpu.memory_space<semaphore_mem>>) src(%arg5 : memref<128x256xf32, #tpu.memory_space<vmem>>) dst(%dma_wait3A_154 : memref<128x256xf32, #tpu.memory_space<hbm>>)
      tpu.yield
    }) : () -> ()
    return
  }
}

module attributes {stable_mosaic.version = 14 : i64} {
  func.func @_tc_add_body(%arg0: i32, %arg1: memref<2x64x64x256xf32, #tpu.memory_space<vmem>>, %arg2: memref<64x64x256xf32, #tpu.memory_space<vmem>>, %arg3: memref<2x64x64x256xf32, #tpu.memory_space<vmem>>) attributes {dimension_semantics = [#tpu.dimension_semantics<arbitrary>], iteration_bounds = array<i64: 16>, scalar_prefetch = 0 : i64, scratch_operands = 0 : i64, tpu.core_type = #tpu.core_type<tc>, window_params = [{transform_indices = @transform_0, window_bounds = array<i64: 2, 64, 64, 256>}, {pipeline_mode = #tpu.pipeline_mode<synchronous>, transform_indices = @transform_1, window_bounds = array<i64: 64, 64, 256>}, {transform_indices = @transform_2, window_bounds = array<i64: 2, 64, 64, 256>}]} {
    %get3A = arith.constant 0 : index
    %get3A_0 = arith.constant 0 : index
    %get3A_1 = arith.constant 0 : index
    %get3A_2 = arith.constant 0 : index
    %get3A_3 = vector.load %arg1[%get3A, %get3A_0, %get3A_1, %get3A_2] : memref<2x64x64x256xf32, #tpu.memory_space<vmem>>, vector<2x64x64x256xf32>
    %get3A_4 = arith.constant 0 : index
    %get3A_5 = arith.constant 0 : index
    %get3A_6 = arith.constant 0 : index
    %get3A_7 = vector.load %arg2[%get3A_4, %get3A_5, %get3A_6] : memref<64x64x256xf32, #tpu.memory_space<vmem>>, vector<64x64x256xf32>
    %broadcast_in_dim3A = vector.shape_cast %get3A_7 : vector<64x64x256xf32> to vector<1x64x64x256xf32>
    %add3A = vector.broadcast %broadcast_in_dim3A : vector<1x64x64x256xf32> to vector<2x64x64x256xf32>
    %add3A_8 = arith.addf %get3A_3, %add3A : vector<2x64x64x256xf32>
    %swap3A = arith.constant 0 : index
    %swap3A_9 = arith.constant 0 : index
    %swap3A_10 = arith.constant 0 : index
    %swap3A_11 = arith.constant 0 : index
    %swap3A_12 = vector.load %arg3[%swap3A, %swap3A_9, %swap3A_10, %swap3A_11] : memref<2x64x64x256xf32, #tpu.memory_space<vmem>>, vector<2x64x64x256xf32>
    tpu.vector_store %arg3[%swap3A, %swap3A_9, %swap3A_10, %swap3A_11], %add3A_8 {strides = array<i32>} : memref<2x64x64x256xf32, #tpu.memory_space<vmem>>, vector<2x64x64x256xf32>,
    return
  }
  func.func @transform_0(%arg0: i32) -> (i32, i32, i32, i32) {
    %c0_i32 = arith.constant 0 : i32
    %c0_i32_0 = arith.constant 0 : i32
    %c0_i32_1 = arith.constant 0 : i32
    %c0_i32_2 = arith.constant 0 : i32
    return %arg0, %c0_i32, %c0_i32_0, %c0_i32_1 : i32, i32, i32, i32
  }
  func.func @transform_1(%arg0: i32) -> (i32, i32, i32) {
    %c0_i32 = arith.constant 0 : i32
    %c0_i32_0 = arith.constant 0 : i32
    %c0_i32_1 = arith.constant 0 : i32
    %c0_i32_2 = arith.constant 0 : i32
    return %c0_i32, %c0_i32_0, %c0_i32_1 : i32, i32, i32
  }
  func.func @transform_2(%arg0: i32) -> (i32, i32, i32, i32) {
    %c0_i32 = arith.constant 0 : i32
    %c0_i32_0 = arith.constant 0 : i32
    %c0_i32_1 = arith.constant 0 : i32
    %c0_i32_2 = arith.constant 0 : i32
    return %arg0, %c0_i32, %c0_i32_0, %c0_i32_1 : i32, i32, i32, i32
  }
}

</mosaic_0001>

<sc_bundles>
// kernel: kernel.4.cloned.1.call-start
scs
__scs_entry_jumppad:
0x0: {  	(pc) =	sbr.rel $0x88, $3  }
0x1: {  	(tag) =	ssettag $0x0;
	lr =	simm.s32 $0x1  }
0x2: {  	[smem:$0x3F9E] =	sst lr;
	_ =	strace $0xD0000000  }
0x3: {  	_ = 	snop  }
0x4: {  	_ = 	snop  }
0x5: {  	_ = 	snop  }
0x6: {  	_ = 	snop  }
0x7: {  	_ = 	snop  }
__scs_overlays_trampoline_lowered:
0x8: {  	[smem:$0x3FAD] =	sst s0  }
0x9: {  	[smem:$0x3FAE] =	sst s1  }
0xa: {  	[smem:$0x3FAF] =	sst s2  }
0xb: {  	[smem:$0x3FB0] =	sst s3  }
0xc: {  	[smem:$0x3FB1] =	sst s4  }
0xd: {  	[smem:$0x3FB2] =	sst s5  }
0xe: {  	[smem:$0x3FB3] =	sst s6  }
0xf: {  	[smem:$0x3FB4] =	sst s7  }
0x10: {  	[smem:$0x3FB5] =	sst s8  }
0x11: {  	[smem:$0x3FB6] =	sst s9;
	s0 =	simm.s32 @!p0 $0x0  }
0x12: {  	s1 =	sld [smem:$0x3F9C];
	s0 =	simm.s32 @p0 $0x1  }
0x13: {  	[smem:$0x3FB7] =	sst s0;
	s0 =	simm.s32 @!p1 $0x0  }
0x14: {  	s2 =	sld [smem:$0x3F9B];
	s0 =	simm.s32 @p1 $0x1  }
0x15: {  	[smem:$0x3FB8] =	sst s0;
	s0 =	simm.s32 @!p2 $0x0  }
0x16: {  	s3 =	sld [smem:$0x3FDB];
	s0 =	simm.s32 @p2 $0x1  }
0x17: {  	s4 =	simm.s32 $0x1BF5;
	[smem:$0x3FBA] =	sst s0  }
0x18: {  	s0 =	sld [smem:$0x3F9D];
	_ =	swait.ge [sflag:s4], $0x0  }
0x19: {  	s7 =	sld [smem:$0x3F9E]  }
0x1a: {  	s8 =	sadd.s32 $0xFFFFE003, lr  }
0x1b: {  	s9 =	sadd.s32 $0xFFFFFEF7, lr;
	s5 =	simm.s32 $0xFFFFFFFF;
	p2 =	slt.u32 s8, $0xFFFFF086  }
0x1c: {  	p1 =	slt.u32 s9, $0xF7A;
	s5 =	simm.s32 @!p2 $0x0  }
0x1d: {  	s5 =	simm.s32 @p1 $0x1;
	p0 =	seq.s32 s7, s2  }
0x1e: {  	s7 =	smul.u32 @!p0 $0xF7A, s2;
	p2 =	seq.s32 @!p0 s5, $0x0  }
0x1f: {  	s9 =	smul.u32 $0xF7A, s1;
	s8 =	simm.s32 @!p0 $0x1BF5;
	p2 =	por !p2, p0  }
0x20: {  	[sflag:s8] =	ssyncset.s32 @!p0 $0xFFFFF086;
	s6 =	sadd.s32 @!p0 s3, s7;
	s7 =	simm.s32 @!p0 $0x108  }
0x21: {  	s3 =	sadd.s32 s3, s9;
	s6 =	sadd.s32 @!p0 $0x88, s6;
	s7 =	simm.s32 @p2 $0x1082  }
0x22: {  	[simem:s7], [sflag:s8] =	dma.local @!p0 [hbm:s6], $0xF7A  }
0x23: {  	s9 =	sor.u32 $0xD0000000, s2;
	s6 =	simm.s32 $0x108;
	_ =	swait.ge @!p0 [sflag:s8], $0x0  }
0x24: {  	s3 =	sadd.s32 $0x88, s3;
	s6 =	simm.s32 @!p1 $0x1082;
	[sflag:s4] =	ssyncset.s32 $0xFFFFF086  }
0x25: {  	[simem:s6], [sflag:s4] =	dma.local [hbm:s3], $0xF7A  }
0x26: {  	[smem:$0x3F9E] =	sst s1;
	(tag) =	ssettag s2;
	_ =	strace s9  }
0x27: {  	s1 =	sld [smem:$0x3FAE]  }
0x28: {  	s2 =	sld [smem:$0x3FAF]  }
0x29: {  	s4 =	sld [smem:$0x3FB1]  }
0x2a: {  	p0 =	seq.s32 s5, $0x0;
	s5 =	sld [smem:$0x3FB2]  }
0x2b: {  	s6 =	sld [smem:$0x3FB3]  }
0x2c: {  	s7 =	sld [smem:$0x3FB4]  }
0x2d: {  	s3 =	simm.s32 $0x108;
	s8 =	sld [smem:$0x3FB5]  }
0x2e: {  	s3 =	simm.s32 @!p0 $0x1082;
	s9 =	sld [smem:$0x3FB6]  }
0x2f: {  	lr =	sadd.s32 s0, s3;
	s0 =	sld [smem:$0x3FAD]  }
0x30: {  	s3 =	sld [smem:$0x3FB0]  }
0x31: {  	[smem:$0x3FB9] =	sst s10  }
0x32: {  	s10 =	sld [smem:$0x3FB7];
	_ =	sdelay $0x3  }
0x33: {  	p0 =	seq.s32 s10, $0x1;
	s10 =	sld [smem:$0x3FB9];
	_ =	sdelay $0x3  }
0x34: {  	[smem:$0x3FB9] =	sst s10  }
0x35: {  	s10 =	sld [smem:$0x3FB8];
	_ =	sdelay $0x3  }
0x36: {  	p1 =	seq.s32 s10, $0x1;
	s10 =	sld [smem:$0x3FB9];
	_ =	sdelay $0x3  }
0x37: {  	[smem:$0x3FB9] =	sst s10  }
0x38: {  	s10 =	sld [smem:$0x3FBA]  }
0x39: {  	_ = 	snop;
	(pc) =	sbr.ind lr, $3  }
0x3a: {  	_ = 	snop  }
0x3b: {  	_ = 	snop  }
0x3c: {  	p2 =	seq.s32 s10, $0x1;
	s10 =	sld [smem:$0x3FB9]  }
0x3d: {  	_ =	shalt  }
0x3e: {  	_ =	shalt  }
0x3f: {  	_ =	shalt  }
0x40: {  	_ =	shalt  }
0x41: {  	_ =	shalt  }
0x42: {  	_ =	shalt  }
0x43: {  	_ =	shalt  }
0x44: {  	_ =	shalt  }
0x45: {  	_ =	shalt  }
0x46: {  	_ =	shalt  }
0x47: {  	_ =	shalt  }
0x48: {  	_ =	shalt  }
0x49: {  	_ =	shalt  }
0x4a: {  	_ =	shalt  }
0x4b: {  	_ =	shalt  }
0x4c: {  	_ =	shalt  }
0x4d: {  	_ =	shalt  }
0x4e: {  	_ =	shalt  }
0x4f: {  	_ =	shalt  }
0x50: {  	_ =	shalt  }
0x51: {  	_ =	shalt  }
0x52: {  	_ =	shalt  }
0x53: {  	_ =	shalt  }
0x54: {  	_ =	shalt  }
0x55: {  	_ =	shalt  }
0x56: {  	_ =	shalt  }
0x57: {  	_ =	shalt  }
0x58: {  	_ =	shalt  }
0x59: {  	_ =	shalt  }
0x5a: {  	_ =	shalt  }
0x5b: {  	_ =	shalt  }
0x5c: {  	_ =	shalt  }
0x5d: {  	_ =	shalt  }
0x5e: {  	_ =	shalt  }
0x5f: {  	_ =	shalt  }
0x60: {  	_ =	shalt  }
0x61: {  	_ =	shalt  }
0x62: {  	_ =	shalt  }
0x63: {  	_ =	shalt  }
0x64: {  	_ =	shalt  }
0x65: {  	_ =	shalt  }
0x66: {  	_ =	shalt  }
0x67: {  	_ =	shalt  }
0x68: {  	_ =	shalt  }
0x69: {  	_ =	shalt  }
0x6a: {  	_ =	shalt  }
0x6b: {  	_ =	shalt  }
0x6c: {  	_ =	shalt  }
0x6d: {  	_ =	shalt  }
0x6e: {  	_ =	shalt  }
0x6f: {  	_ =	shalt  }
0x70: {  	_ =	shalt  }
0x71: {  	_ =	shalt  }
0x72: {  	_ =	shalt  }
0x73: {  	_ =	shalt  }
0x74: {  	_ =	shalt  }
0x75: {  	_ =	shalt  }
0x76: {  	_ =	shalt  }
0x77: {  	_ =	shalt  }
0x78: {  	_ =	shalt  }
0x79: {  	_ =	shalt  }
0x7a: {  	_ =	shalt  }
0x7b: {  	_ =	shalt  }
0x7c: {  	_ =	shalt  }
0x7d: {  	_ =	shalt  }
0x7e: {  	_ =	shalt  }
0x7f: {  	_ =	shalt  }
0x80: {  	_ =	shalt  }
0x81: {  	_ =	shalt  }
0x82: {  	_ =	shalt  }
0x83: {  	_ =	shalt  }
0x84: {  	_ =	shalt  }
0x85: {  	_ =	shalt  }
0x86: {  	_ =	shalt  }
0x87: {  	_ =	shalt  }
.Lfunc_end0:
.L_simem_size_0:
called_computation_lowered:
.L_overlay_start_0:
0x88: {  	s2 =	sld [smem:$0x3FD9]  }
0x89: {  	s3 =	sld [smem:$0x3FFE];
	_ =	sdelay $0x1  }
0x8a: {  	s1 =	srdreg.scid  }
0x8b: {  	s0 =	sand.u32 $0x1, s1  }
0x8c: {  	s17 =	sshll.u32 s0, $0xA;
	s2 =	sadd.s32 s3, s2  }
0x8d: {  	s2 =	sadd.s32 s2, s17  }
0x8e: {  	[smem:$0x3FC5] =	sst s2  }
0x8f: {  	_ = 	snop  }
0x90: {  	s2 =	sld [smem:$0x3FD0];
	(tm) =	ssettm $0x1  }
0x91: {  	s18 =	sld [smem:$0x3FFB];
	_ =	sdelay $0x3  }
0x92: {  	_ =	strace s18  }
0x93: {  	s3 =	sld [smem:$0x3FFC];
	_ =	sdelay $0x3  }
0x94: {  	_ =	strace s3  }
0x95: {  	s3 =	sld [smem:$0x3FFD];
	_ =	sdelay $0x3  }
0x96: {  	_ =	strace s3  }
0x97: {  	_ =	strace $0x8FFFFFFF  }
0x98: {  	s19 =	sld [smem:$0x3FDB];
	_ =	sdelay $0x1  }
0x99: {  	s4 =	simm.s32 $_scs_section_size  }
0x9a: {  	s5 =	simm.s32 $_size__tile_overlayer_lowered;
	s6 =	simm.s32 $_tile_overlayer_lowered  }
0x9b: {  	s22 =	simm.s32 $0x1BFF;
	s21 =	sshll.u32 s6, $0x1;
	s3 =	sadd.s32 s4, s19  }
0x9c: {  	s7 =	simm.s32 $0x0;
	s20 =	sshll.u32 s5, $0x1;
	s5 =	sadd.s32 s21, s3  }
0x9d: {  	[timem:s7], [sflag:s22] =	dma.local [hbm:s5], s20  }
0x9e: {  	_ =	swait.ge [sflag:s22], s20  }
0x9f: {  	s4 =	ssub.s32 $0x0, s20;
	[sflag:s22] =	ssyncset.done $0x0  }
0xa0: {  	[sflag:s22] =	ssyncadd.s32 s4;
	_ =	sdelay $0x1  }
0xa1: {  	s23 =	simm.s32 $0x1B8B  }
0xa2: {  	_ =	swait.ge [sflag:s23], $0x1  }
0xa3: {  	[sflag:s23] =	ssyncset.done $0x0  }
0xa4: {  	s25 =	simm.s32 $0x1B8E;
	s24 =	sld [smem:$0x3FFE];
	[sflag:s23] =	ssyncadd.s32 $0xFFFFFFFF  }
0xa5: {  	s26 =	simm.s32 $execute0_lowered;
	[smem:$0x3FD2] =	sst s25  }
0xa6: {  	s5 =	sshll.u32 s26, $0x1;
	_ =	strace $0x80000046;
	[dreg:$0x1] =	wrdreg $0xFFFFFFFF  }
0xa7: {  	s28 =	simm.s32 $_size_execute0_lowered;
	s3 =	sadd.s32 s3, s5;
	[dreg:$0x0] =	wrdreg $0x0  }
0xa8: {  	s5 =	sshll.u32 s28, $0x1;
	[dreg:$0x2] =	wrdreg s3  }
0xa9: {  	[dreg:$0x3] =	wrdreg s5  }
0xaa: {  	[dreg:$0x4] =	wrdreg $0xC0  }
0xab: {  	_ =	task [dreg:s7], $0x5FFFF  }
0xac: {  	[dreg:$0x1] =	wrdreg $0xFFFFFFFF  }
0xad: {  	[dreg:$0x0] =	wrdreg $0x60  }
0xae: {  	[dreg:$0x2] =	wrdreg s24  }
0xaf: {  	[dreg:$0x3] =	wrdreg s2  }
0xb0: {  	[dreg:$0x4] =	wrdreg $0x9  }
0xb1: {  	_ =	task.clear_ibuf [dreg:s7], $0x5FFFF;
	_ =	strace $0x90000046  }
0xb2: {  	s29 =	simm.s32 $0x9;
	_ =	strace $0x80000048  }
0xb3: {  	_ =	swait.ge [sflag:s29], $0x1  }
0xb4: {  	[sflag:s29] =	ssyncadd.s32 $0xFFFFFFFF  }
0xb5: {  	_ =	strace $0x90000048  }
0xb6: {  	_ =	sfence  }
0xb7: {  	s30 =	sld [smem:$0x0];
	_ =	sdelay $0x2  }
0xb8: {  	s31 =	sshll.u32 s1, $0xD;
	s1 =	sshrl.u32 s1, $0x2  }
0xb9: {  	s3 =	sand.u32 $0x4000, s31;
	s1 =	sadd.s32 s1, s30  }
0xba: {  	s0 =	sor.u32 s3, s0;
	s1 =	sshll.u32 s1, $0x11  }
0xbb: {  	s0 =	sor.u32 s1, s0  }
0xbc: {  	s0 =	sadd.s32 $0x8F2B, s0  }
0xbd: {  	[sflag:s0] =	ssyncadd.remote.s32 $0x1  }
0xbe: {  	_ =	sfence.sel $0xFFFF  }
0xbf: {  	[dreg:$0x0] =	wrdreg $0xFFFFFFFF;
	(pc) =	sbr.abs _section_cstart, $3  }
0xc0: {  	[dreg:$0x1] =	wrdreg $0xFFFFFFFF  }
0xc1: {  	_ =	task.clear_ibuf [dreg:s7], $0x2FFFF;
	_ =	strace $0x9FFFFFFF  }
0xc2: {  	(tm) =	ssettm $0x7FFFFFFF  }
0xc3: {  	_ =	shalt  }
tec
execute0_lowered:
.L_overlay_start_1:
0x0: {  	(tag) =	ssettag $0x1  }
0x1: {  	s1 =	srdreg.scid  }
0x2: {  	s0 =	stileid.u32;
	s3 =	sand.u32 $0x1, s1  }
0x3: {  	s29 =	sshll.u32 s0, $0x8;
	s2 =	sshll.u32 s3, $0x7  }
0x4: {  	v6 =	vlaneseq.u32;
	vm0 =	vmmov $0xffff;
	s4 =	sor.u32 s2, s29  }
0x5: {  	v2 =	vadd.s32 $0x3F, v6;
	v4 =	vadd.s32 $0x4F, v6;
	v0 =	vmov s4;
	s1 =	sor.u32 $0x40, s4;
	s2 =	sor.u32 $0x50, s4  }
0x6: {  	s5 =	rddreg [dreg:$0x0];
	v0 =	vshrl.u32 v0, $0x6;
	v1 =	vmov s1;
	v3 =	vmov s2  }
0x7: {  	s6 =	rddreg [dreg:$0x1];
	s9 =	simm.s32 $0x1880;
	v9 =	vbroadcast v0, $0x0;
	v5 =	vshrl.u32 v1, $0x6;
	v3 =	vshrl.u32 v3, $0x6  }
0x8: {  	s10 =	simm.s32 $0x2080;
	s11 =	simm.s32 $0x2880;
	v8 =	vadd.s32 $0x5F, v6;
	s7 =	sor.u32 $0x60, s4;
	v5 =	vbroadcast v5, $0x0;
	v3 =	vbroadcast v3, $0x0  }
0x9: {  	s12 =	simm.s32 $0x3080;
	s13 =	simm.s32 $0x3880;
	s14 =	simm.s32 $0x4080;
	v10 =	vadd.s32 $0x6F, v6;
	v7 =	vmov s7;
	v0 =	vsub.s32 v2, v9  }
0xa: {  	s15 =	simm.s32 $0x4880;
	s16 =	simm.s32 $0x5080;
	s31 =	sor.u32 $0x70, s4;
	v1 =	vsub.s32 v4, v9;
	v2 =	vsub.s32 v2, v5;
	v3 =	vsub.s32 v4, v3  }
0xb: {  	s17 =	simm.s32 $0x5880;
	s18 =	simm.s32 $0x6080;
	s19 =	simm.s32 $0x6880;
	v4 =	vshrl.u32 v7, $0x6;
	v5 =	vmov s31;
	v7 =	vshll.u32 v0, $0x1  }
0xc: {  	s20 =	simm.s32 $0x7080;
	s21 =	simm.s32 $0x7880;
	s3 =	ssub.s32 $0x2, s3;
	v11 =	vand.u32 $0x7, v0;
	v5 =	vshrl.u32 v5, $0x6;
	v7 =	vand.u32 $0xF0, v7  }
0xd: {  	s22 =	simm.s32 $0x1;
	s23 =	simm.s32 $0x2;
	s8 =	sshrl.u32 s3, $0x1;
	v4 =	vbroadcast v4, $0x0;
	v12 =	vbroadcast v5, $0x0;
	v11 =	vor.u32 v11, v7  }
0xe: {  	s30 =	ssub.s32 s3, s8;
	s4 =	sshll.u32 s4, $0x5;
	s3 =	sadd.s32 $0x600, s5;
	v5 =	vand.u32 $0x7, v6;
	v7 =	vshrl.u32 v6, $0x3;
	v6 =	vor.u32 $0x8, v6  }
0xf: {  	s8 =	simm.s32 $0x1080;
	s1 =	rddreg [dreg:$0x2];
	s2 =	simm.s32 $0x0;
	v13 =	vperm.xlane v11, v5;
	v7 =	vmul.u32 $0x8, v7;
	v14 =	vperm.xlane v11, v6  }
0x10: {  	s4 =	sadd.s32 s6, s4;
	s5 =	smax.u32 s30, $0x1;
	[smem:$0x7FF] =	sst s2;
	v4 =	vsub.s32 v8, v4;
	v8 =	vsub.s32 v8, v9;
	v9 =	vsub.s32 v10, v9  }
0x11: {  	s6 =	simm.s32 $0x80;
	s7 =	simm.s32 $0x880;
	_ =	strace $0x80000047;
	v10 =	vsub.s32 v10, v12;
	v11 =	vadd.s32 v7, v13;
	v12 =	vadd.s32 v7, v14  }
.LBB2_1:
0x12: {  	[tilespmem:$0x0] =	vst v0  }
0x13: {  	[tilespmem:$0x10] =	vst v1  }
0x14: {  	[tilespmem:$0x20] =	vst v8  }
0x15: {  	[tilespmem:$0x30] =	vst v9  }
0x16: {  	[tilespmem:$0x40] =	vst v2  }
0x17: {  	[tilespmem:$0x50] =	vst v3  }
0x18: {  	[tilespmem:$0x60] =	vst v4  }
0x19: {  	[tilespmem:$0x70] =	vst v10  }
0x1a: {  	[tilespmem:s6], [sflag:$0x1] =	stream.indirect_vreg.gather [hbm4b:s3+s2], $0x80, v11, vm0, $0xb8;
	[tilespmem:$0x8080] =	vst v63  }
0x1b: {  	_ = 	snop  }
0x1c: {  	[tilespmem:s7], [sflag:$0x1] =	stream.indirect_vreg.gather [hbm4b:s3+s2], $0x80, v12, vm0, $0xb8;
	[tilespmem:$0x8080] =	vst v63  }
0x1d: {  	v13 =	vld [tilespmem:$0x10];
	_ =	sdelay $0x4  }
0x1e: {  	v14 =	vshll.u32 v13, $0x1  }
0x1f: {  	v13 =	vand.u32 $0x7, v13;
	v14 =	vand.u32 $0xFFFFFFF0, v14  }
0x20: {  	v13 =	vor.u32 v13, v14  }
0x21: {  	v14 =	vperm.xlane v13, v5;
	_ =	sdelay $0x1  }
0x22: {  	v13 =	vperm.xlane v13, v6;
	v14 =	vadd.s32 v7, v14;
	_ =	sdelay $0x1  }
0x23: {  	v13 =	vadd.s32 v7, v13;
	_ =	sdelay $0x2  }
0x24: {  	[tilespmem:s8], [sflag:$0x1] =	stream.indirect_vreg.gather [hbm4b:s3+s2], $0x80, v14, vm0, $0xb8;
	[tilespmem:$0x8080] =	vst v63  }
0x25: {  	_ = 	snop  }
0x26: {  	[tilespmem:s9], [sflag:$0x1] =	stream.indirect_vreg.gather [hbm4b:s3+s2], $0x80, v13, vm0, $0xb8;
	[tilespmem:$0x8080] =	vst v63  }
0x27: {  	v13 =	vld [tilespmem:$0x20];
	_ =	sdelay $0x4  }
0x28: {  	v14 =	vshll.u32 v13, $0x1  }
0x29: {  	v13 =	vand.u32 $0x7, v13;
	v14 =	vand.u32 $0xFFFFFFF0, v14  }
0x2a: {  	v13 =	vor.u32 v13, v14  }
0x2b: {  	v14 =	vperm.xlane v13, v5;
	_ =	sdelay $0x1  }
0x2c: {  	v13 =	vperm.xlane v13, v6;
	v14 =	vadd.s32 v7, v14;
	_ =	sdelay $0x1  }
0x2d: {  	v13 =	vadd.s32 v7, v13;
	_ =	sdelay $0x2  }
0x2e: {  	[tilespmem:s10], [sflag:$0x1] =	stream.indirect_vreg.gather [hbm4b:s3+s2], $0x80, v14, vm0, $0xb8;
	[tilespmem:$0x8080] =	vst v63  }
0x2f: {  	_ = 	snop  }
0x30: {  	[tilespmem:s11], [sflag:$0x1] =	stream.indirect_vreg.gather [hbm4b:s3+s2], $0x80, v13, vm0, $0xb8;
	[tilespmem:$0x8080] =	vst v63  }
0x31: {  	v13 =	vld [tilespmem:$0x30];
	_ =	sdelay $0x4  }
0x32: {  	v14 =	vshll.u32 v13, $0x1  }
0x33: {  	v13 =	vand.u32 $0x7, v13;
	v14 =	vand.u32 $0xFFFFFFF0, v14  }
0x34: {  	v13 =	vor.u32 v13, v14  }
0x35: {  	v14 =	vperm.xlane v13, v5;
	_ =	sdelay $0x1  }
0x36: {  	v13 =	vperm.xlane v13, v6;
	v14 =	vadd.s32 v7, v14;
	_ =	sdelay $0x1  }
0x37: {  	v13 =	vadd.s32 v7, v13;
	_ =	sdelay $0x2  }
0x38: {  	[tilespmem:s12], [sflag:$0x1] =	stream.indirect_vreg.gather [hbm4b:s3+s2], $0x80, v14, vm0, $0xb8;
	[tilespmem:$0x8080] =	vst v63  }
0x39: {  	_ = 	snop  }
0x3a: {  	[tilespmem:s13], [sflag:$0x1] =	stream.indirect_vreg.gather [hbm4b:s3+s2], $0x80, v13, vm0, $0xb8;
	[tilespmem:$0x8080] =	vst v63  }
0x3b: {  	v13 =	vld [tilespmem:$0x40];
	_ =	sdelay $0x4  }
0x3c: {  	v14 =	vshll.u32 v13, $0x1  }
0x3d: {  	v13 =	vand.u32 $0x7, v13;
	v14 =	vand.u32 $0xFFFFFFF0, v14  }
0x3e: {  	v13 =	vor.u32 v13, v14  }
0x3f: {  	v14 =	vperm.xlane v13, v5;
	_ =	sdelay $0x1  }
0x40: {  	v13 =	vperm.xlane v13, v6;
	v14 =	vadd.s32 v7, v14;
	_ =	sdelay $0x1  }
0x41: {  	v13 =	vadd.s32 v7, v13;
	_ =	sdelay $0x2  }
0x42: {  	[tilespmem:s14], [sflag:$0x1] =	stream.indirect_vreg.gather [hbm4b:s3+s2], $0x80, v14, vm0, $0xb8;
	[tilespmem:$0x8080] =	vst v63  }
0x43: {  	_ = 	snop  }
0x44: {  	[tilespmem:s15], [sflag:$0x1] =	stream.indirect_vreg.gather [hbm4b:s3+s2], $0x80, v13, vm0, $0xb8;
	[tilespmem:$0x8080] =	vst v63  }
0x45: {  	v13 =	vld [tilespmem:$0x50];
	_ =	sdelay $0x4  }
0x46: {  	v14 =	vshll.u32 v13, $0x1  }
0x47: {  	v13 =	vand.u32 $0x7, v13;
	v14 =	vand.u32 $0xFFFFFFF0, v14  }
0x48: {  	v13 =	vor.u32 v13, v14  }
0x49: {  	v14 =	vperm.xlane v13, v5;
	_ =	sdelay $0x1  }
0x4a: {  	v13 =	vperm.xlane v13, v6;
	v14 =	vadd.s32 v7, v14;
	_ =	sdelay $0x1  }
0x4b: {  	v13 =	vadd.s32 v7, v13;
	_ =	sdelay $0x2  }
0x4c: {  	[tilespmem:s16], [sflag:$0x1] =	stream.indirect_vreg.gather [hbm4b:s3+s2], $0x80, v14, vm0, $0xb8;
	[tilespmem:$0x8080] =	vst v63  }
0x4d: {  	_ = 	snop  }
0x4e: {  	[tilespmem:s17], [sflag:$0x1] =	stream.indirect_vreg.gather [hbm4b:s3+s2], $0x80, v13, vm0, $0xb8;
	[tilespmem:$0x8080] =	vst v63  }
0x4f: {  	v13 =	vld [tilespmem:$0x60];
	_ =	sdelay $0x4  }
0x50: {  	v14 =	vshll.u32 v13, $0x1  }
0x51: {  	v13 =	vand.u32 $0x7, v13;
	v14 =	vand.u32 $0xFFFFFFF0, v14  }
0x52: {  	v13 =	vor.u32 v13, v14  }
0x53: {  	v14 =	vperm.xlane v13, v5;
	_ =	sdelay $0x1  }
0x54: {  	v13 =	vperm.xlane v13, v6;
	v14 =	vadd.s32 v7, v14;
	_ =	sdelay $0x1  }
0x55: {  	v13 =	vadd.s32 v7, v13;
	_ =	sdelay $0x2  }
0x56: {  	[tilespmem:s18], [sflag:$0x1] =	stream.indirect_vreg.gather [hbm4b:s3+s2], $0x80, v14, vm0, $0xb8;
	[tilespmem:$0x8080] =	vst v63  }
0x57: {  	_ = 	snop  }
0x58: {  	[tilespmem:s19], [sflag:$0x1] =	stream.indirect_vreg.gather [hbm4b:s3+s2], $0x80, v13, vm0, $0xb8;
	[tilespmem:$0x8080] =	vst v63  }
0x59: {  	v13 =	vld [tilespmem:$0x70];
	_ =	sdelay $0x4  }
0x5a: {  	v14 =	vshll.u32 v13, $0x1  }
0x5b: {  	v13 =	vand.u32 $0x7, v13;
	v14 =	vand.u32 $0xFFFFFFF0, v14  }
0x5c: {  	v13 =	vor.u32 v13, v14  }
0x5d: {  	v14 =	vperm.xlane v13, v5;
	_ =	sdelay $0x1  }
0x5e: {  	v13 =	vperm.xlane v13, v6;
	v14 =	vadd.s32 v7, v14;
	_ =	sdelay $0x1  }
0x5f: {  	v13 =	vadd.s32 v7, v13;
	_ =	sdelay $0x2  }
0x60: {  	[tilespmem:s20], [sflag:$0x1] =	stream.indirect_vreg.gather [hbm4b:s3+s2], $0x80, v14, vm0, $0xb8;
	[tilespmem:$0x8080] =	vst v63  }
0x61: {  	_ = 	snop  }
0x62: {  	[tilespmem:s21], [sflag:$0x1] =	stream.indirect_vreg.gather [hbm4b:s3+s2], $0x80, v13, vm0, $0xb8;
	[tilespmem:$0x8080] =	vst v63  }
0x63: {  	_ =	swait.ge [sflag:s22], $0x8000  }
0x64: {  	p0 =	sne.s32 s5, $0x1;
	[sflag:s22] =	ssyncset.done $0x0  }
.Ltmp0:
0x65: {  	[sflag:s22] =	ssyncadd.s32 $0xFFFF8000;
	(pc) =	sbr.rel @p0 .LBB2_1-.Ltmp0, $4  }
0x66: {  	[hbm4b:s4+s2] =	stream.linear.scatter [tilespmem:s6], [sflag:$0x2], $0x8000, $0x38;
	[tilespmem:$0x8080] =	vst v63  }
0x67: {  	_ =	swait.ge [sflag:s23], $0x8000  }
0x68: {  	[sflag:s23] =	ssyncset.done $0x0  }
0x69: {  	s5 =	sadd.s32 $0xFFFFFFFF, s5;
	[sflag:s23] =	ssyncadd.s32 $0xFFFF8000  }
0x6a: {  	_ =	sfence.sel $0x180000  }
0x6b: {  	[bflag:$0x0] =	sbarrier.arrive $0xFFFF  }
0x6c: {  	p0 =	sne.s32 s0, $0x0;
	_ =	strace $0x90000047  }
0x6d: {  	s0 =	sadd.s32 @!p0 $0x100000, s1;
	[bflag:$0x2] =	sbarrier.arrive $0xFFFF  }
0x6e: {  	[sflag:s0] =	ssyncadd.tile.s32 @!p0 $0x1;
	_ =	shalt  }
.Lfunc_end2:
_tile_overlayer_lowered:
.L_overlay_start_2:
0x6f: {  	(tag) =	ssettag $0x2  }
0x70: {  	s0 =	rddreg [dreg:$0x0];
	s2 =	stileid.u32  }
0x71: {  	s1 =	rddreg [dreg:$0x1];
	p0 =	sne.s32 s2, $0x0  }
0x72: {  	s3 =	rddreg [dreg:$0x2];
	[bflag:$0x3] =	sbarrier.arrive $0xFFFF;
	s2 =	simm.s32 @!p0 $0x1C02  }
0x73: {  	[timem:s3], [sflag:s2] =	dma.local @!p0 [hbm:s0], s1  }
0x74: {  	s0 =	simm.s32 @!p0 $0x2  }
0x75: {  	_ =	swait.ge @!p0 [sflag:s0], s1  }
0x76: {  	s1 =	ssub.s32 @!p0 $0x0, s1;
	[sflag:s0] =	ssyncset.done @!p0 $0x0  }
0x77: {  	[sflag:s0] =	ssyncadd.s32 @!p0 s1  }
0x78: {  	[bflag:$0x3] =	sbarrier.arrive $0xFFFF  }
0x79: {  	_ =	shalt  }

</sc_bundles>
